<compile_context>
chip_gen: v7x
topology: tpu7x:2x2x1
jax: 0.10.2.dev20260603
libtpu: 0.0.44.dev20260713+nightly
codegen_flags: <defaults>
</compile_context>

<pallas_src>
import functools

import jax
import jax.numpy as jnp
from jax import lax
from jax.experimental import pallas as pl
from jax.experimental.pallas import tpu as pltpu
from jax.experimental.pallas import tpu_sc as plsc

NC = 2
NS = 16
NW = NC * NS
L = 16

B = 16384
EMB = 64
HIST = 200
BPW = B // NW
NCHUNK = BPW // 128


SBLK = 65536
ABLK = 16384
NSONG = 1000000
NART = 100000
NGEN = 1000
SGRID = (NSONG + SBLK - 1) // SBLK
AGRID = (NART + ABLK - 1) // ABLK


def _dotrow(w_row, x):
    r = lax.dot_general(w_row, x, (((1,), (0,)), ((), ())),
                        preferred_element_type=jnp.float32)
    return r[0]


def _mv3_body(song_ref, art_ref, gen_ref, w_ref, so_ref, ao_ref, go_ref):
    so_ref[...] = _dotrow(w_ref[2:3, :], song_ref[...])
    ao_ref[...] = _dotrow(w_ref[1:2, :], art_ref[...])
    go_ref[...] = _dotrow(w_ref[0:1, :], gen_ref[...])


def _scores(songt, artistt, genret, w3):
    return pl.pallas_call(
        _mv3_body,
        grid=(SGRID,),
        in_specs=[
            pl.BlockSpec((EMB, SBLK), lambda i: (0, i)),
            pl.BlockSpec((EMB, ABLK), lambda i: (0, jnp.minimum(i, AGRID - 1))),
            pl.BlockSpec((EMB, 1024), lambda i: (0, 0)),
            pl.BlockSpec((3, EMB), lambda i: (0, 0)),
        ],
        out_specs=[
            pl.BlockSpec((SBLK,), lambda i: (i,)),
            pl.BlockSpec((ABLK,), lambda i: (jnp.minimum(i, AGRID - 1),)),
            pl.BlockSpec((1024,), lambda i: (0,)),
        ],
        out_shape=[
            jax.ShapeDtypeStruct((NSONG,), jnp.float32),
            jax.ShapeDtypeStruct((NART,), jnp.float32),
            jax.ShapeDtypeStruct((NGEN,), jnp.float32),
        ],
    )(songt, artistt, genret, w3)


def _sc_body(gidx_hbm, aidx_hbm, sidx_hbm, ss_hbm, gs_hbm, as_hbm, b16_hbm,
             out_hbm, sidx_v, cidx_v, sval_v, gval_v, aval_v, bv, outv,
             sem_s, sem_c):
    c = lax.axis_index("c")
    s = lax.axis_index("s")
    wid = s * NC + c
    base = wid * BPW

    stage_cps = [
        pltpu.async_copy(sidx_hbm.at[pl.ds(base, BPW)], sidx_v, sem_c),
        pltpu.async_copy(gidx_hbm, cidx_v.at[0, pl.ds(0, HIST)], sem_c),
        pltpu.async_copy(aidx_hbm, cidx_v.at[1, pl.ds(0, HIST)], sem_c),
        pltpu.async_copy(b16_hbm, bv, sem_c),
    ]

    zeros = jnp.zeros((L,), jnp.float32)
    gval_v[pl.ds(192, L)] = zeros
    aval_v[pl.ds(192, L)] = zeros

    for cp in stage_cps:
        cp.wait()

    song_cps = [
        pltpu.async_copy(ss_hbm.at[sidx_v.at[pl.ds(j * 128, 128)]],
                         sval_v.at[pl.ds(j * 128, 128)], sem_s)
        for j in range(NCHUNK)
    ]
    const_cps = [
        pltpu.async_copy(gs_hbm.at[cidx_v.at[0, pl.ds(0, 128)]],
                         gval_v.at[pl.ds(0, 128)], sem_c),
        pltpu.async_copy(gs_hbm.at[cidx_v.at[0, pl.ds(128, 72)]],
                         gval_v.at[pl.ds(128, 72)], sem_c),
        pltpu.async_copy(as_hbm.at[cidx_v.at[1, pl.ds(0, 128)]],
                         aval_v.at[pl.ds(0, 128)], sem_c),
        pltpu.async_copy(as_hbm.at[cidx_v.at[1, pl.ds(128, 72)]],
                         aval_v.at[pl.ds(128, 72)], sem_c),
    ]

    lane = lax.iota(jnp.int32, L)
    dnums = lax.GatherDimensionNumbers(
        offset_dims=(), collapsed_slice_dims=(0,), start_index_map=(0,))

    def allsum(v):
        for step in (1, 2, 4, 8):
            p = lax.gather(v, (lane ^ step)[:, None], dnums, slice_sizes=(1,),
                           mode=lax.GatherScatterMode.PROMISE_IN_BOUNDS)
            v = v + p
        return v

    for cp in const_cps:
        cp.wait()

    gtot = zeros
    atot = zeros
    for t in range(13):
        gtot = gtot + gval_v[pl.ds(t * L, L)]
        atot = atot + aval_v[pl.ds(t * L, L)]
    cconst = (allsum(gtot) + allsum(atot)) * (1.0 / HIST) + allsum(bv[...])

    for cp in song_cps:
        cp.wait()

    def group(g, _):
        outv[pl.ds(g * L, L)] = sval_v[pl.ds(g * L, L)] + cconst
        return 0

    lax.fori_loop(0, BPW // L, group, 0)

    pltpu.sync_copy(outv, out_hbm.at[pl.ds(base, BPW)])


@jax.jit
def _run(gidx, aidx, sidx, song_scores, genre_scores, artist_scores, b16):
    mesh = plsc.VectorSubcoreMesh(core_axis_name="c", subcore_axis_name="s",
                                  num_cores=NC, num_subcores=NS)
    return pl.kernel(
        _sc_body,
        out_type=jax.ShapeDtypeStruct((B,), jnp.float32),
        mesh=mesh,
        scratch_types=[
            pltpu.VMEM((BPW,), jnp.int32),
            pltpu.VMEM((2, HIST), jnp.int32),
            pltpu.VMEM((BPW,), jnp.float32),
            pltpu.VMEM((208,), jnp.float32),
            pltpu.VMEM((208,), jnp.float32),
            pltpu.VMEM((L,), jnp.float32),
            pltpu.VMEM((BPW,), jnp.float32),
            pltpu.SemaphoreType.DMA,
            pltpu.SemaphoreType.DMA,
        ],
        compiler_params=pltpu.CompilerParams(needs_layout_passes=False),
    )(gidx, aidx, sidx, song_scores, genre_scores, artist_scores, b16)


def kernel(genre_indices, artist_indices, song_indices, song_table,
           genre_table, artist_table, fc_w, fc_b):
    w3 = fc_w.reshape(3, EMB)
    song_scores, artist_scores, genre_scores = _scores(
        song_table.T, artist_table.T, genre_table.T, w3)
    b16 = jnp.pad(fc_b.reshape(-1), (0, L - 1))
    return _run(genre_indices.astype(jnp.int32),
                artist_indices.astype(jnp.int32),
                song_indices.astype(jnp.int32),
                song_scores, genre_scores, artist_scores, b16)

# --- scband reference (transcript-rebuilt; emitter-appended) ---
"""Pipeline reference for scband-song-recommender-32779190403447 (READ-ONLY COPY).

The authoritative reference and input builder live on the scoring server;
editing this copy changes nothing except your own understanding.
"""

import jax, jax.numpy as jnp
import numpy as np

NUM_SONGS = 1000000
NUM_GENRES = 1000
NUM_ARTISTS = 100000
EMB = 64
B = 16384
HIST = 200

def setup_inputs(seed: int = 0) -> dict:
    key = jax.random.key(seed)
    ks = jax.random.split(key, 8)
    genre_indices = jax.random.randint(ks[0], (HIST,), 0, NUM_GENRES, dtype=jnp.int64 if jax.config.read('jax_enable_x64') else jnp.int32)
    artist_indices = jax.random.randint(ks[1], (HIST,), 0, NUM_ARTISTS, dtype=jnp.int32)
    song_indices = jax.random.randint(ks[2], (B,), 0, NUM_SONGS, dtype=jnp.int32)
    song_table = jax.random.normal(ks[3], (NUM_SONGS, EMB), dtype=jnp.float32) * 0.02
    genre_table = jax.random.normal(ks[4], (NUM_GENRES, EMB), dtype=jnp.float32) * 0.02
    artist_table = jax.random.normal(ks[5], (NUM_ARTISTS, EMB), dtype=jnp.float32) * 0.02
    fc_w = jax.random.normal(ks[6], (1, EMB * 3), dtype=jnp.float32) * (1.0 / np.sqrt(EMB * 3))
    fc_b = jax.random.normal(ks[7], (1,), dtype=jnp.float32) * 0.01
    return {"genre_indices": genre_indices, "artist_indices": artist_indices, "song_indices": song_indices,
            "song_table": song_table, "genre_table": genre_table, "artist_table": artist_table,
            "fc_w": fc_w, "fc_b": fc_b}

def reference(genre_indices, artist_indices, song_indices, song_table, genre_table, artist_table, fc_w, fc_b):
    genre_embed = jnp.take(genre_table, genre_indices, axis=0).mean(axis=0, keepdims=True)   # [1, EMB]
    artist_embed = jnp.take(artist_table, artist_indices, axis=0).mean(axis=0, keepdims=True)  # [1, EMB]
    song_embed = jnp.take(song_table, song_indices, axis=0)                                   # [B, EMB]
    genre_embed = jnp.broadcast_to(genre_embed, song_embed.shape)
    artist_embed = jnp.broadcast_to(artist_embed, song_embed.shape)
    combined = jnp.concatenate((genre_embed, artist_embed, song_embed), axis=1)               # [B, 3*EMB]
    scores = (combined @ fc_w.T + fc_b).squeeze()                                             # [B]
    return scores

if __name__ == "__main__":
    import jax
    _d = setup_inputs()
    print(jax.jit(kernel)(*tuple(_d.values())))

</pallas_src>

<mosaic_0001>
#map = affine_map<(d0, d1) -> (0)>
module attributes {stable_mosaic.version = 14 : i64} {
  func.func @_sc_body(%arg0: i32, %arg1: i32, %arg2: memref<200xi32, #tpu.memory_space<hbm>>, %arg3: memref<200xi32, #tpu.memory_space<hbm>>, %arg4: memref<16384xi32, #tpu.memory_space<hbm>>, %arg5: memref<1000000xf32, #tpu.memory_space<hbm>>, %arg6: memref<1000xf32, #tpu.memory_space<hbm>>, %arg7: memref<100000xf32, #tpu.memory_space<hbm>>, %arg8: memref<16xf32, #tpu.memory_space<hbm>>, %arg9: memref<16384xf32, #tpu.memory_space<hbm>>, %arg10: memref<512xi32, #tpu.memory_space<vmem>>, %arg11: memref<2x200xi32, #tpu.memory_space<vmem>>, %arg12: memref<512xf32, #tpu.memory_space<vmem>>, %arg13: memref<208xf32, #tpu.memory_space<vmem>>, %arg14: memref<208xf32, #tpu.memory_space<vmem>>, %arg15: memref<16xf32, #tpu.memory_space<vmem>>, %arg16: memref<512xf32, #tpu.memory_space<vmem>>, %arg17: memref<!tpu.dma_semaphore, #tpu.memory_space<semaphore_mem>>, %arg18: memref<!tpu.dma_semaphore, #tpu.memory_space<semaphore_mem>>) attributes {dimension_semantics = [#tpu.dimension_semantics<core_parallel>, #tpu.dimension_semantics<subcore_parallel>], iteration_bounds = array<i64: 2, 16>, scalar_prefetch = 0 : i64, scratch_operands = 9 : i64, tpu.core_type = #tpu.core_type<sc_vector_subcore>, window_params = [{transform_indices = #map}, {transform_indices = #map}, {transform_indices = #map}, {transform_indices = #map}, {transform_indices = #map}, {transform_indices = #map}, {transform_indices = #map}, {transform_indices = #map}]} {
    %mul3A = arith.constant 2 : i32
    %mul3A_0 = arith.muli %arg1, %mul3A : i32
    %add3A = arith.addi %mul3A_0, %arg0 : i32
    %mul3A_1 = arith.constant 512 : i32
    %mul3A_2 = arith.muli %add3A, %mul3A_1 : i32
    %dma_start3A = tpu.memref_slice %arg4[%mul3A_2] : memref<16384xi32, #tpu.memory_space<hbm>> -> memref<512xi32, #tpu.memory_space<hbm>>
    %dma_start3A_3 = tpu.memref_slice %arg4[%mul3A_2] : memref<16384xi32, #tpu.memory_space<hbm>> -> memref<512xi32, #tpu.memory_space<hbm>>
    tpu.enqueue_dma source(%dma_start3A_3 : memref<512xi32, #tpu.memory_space<hbm>>) target(%arg10 : memref<512xi32, #tpu.memory_space<vmem>>) target_semaphore(%arg18 : memref<!tpu.dma_semaphore, #tpu.memory_space<semaphore_mem>>)
    %dma_start3A_4 = arith.constant 0 : i32
    %dma_start3A_5 = arith.constant 0 : i32
    %dma_start3A_6 = tpu.memref_slice %arg11[%dma_start3A_4, %dma_start3A_5] : memref<2x200xi32, #tpu.memory_space<vmem>> -> memref<1x200xi32, #tpu.memory_space<vmem>>
    %dma_start3A_7 = tpu.memref_squeeze %dma_start3A_6 : memref<1x200xi32, #tpu.memory_space<vmem>> -> memref<200xi32, #tpu.memory_space<vmem>>
    %dma_start3A_8 = arith.constant 0 : i32
    %dma_start3A_9 = tpu.memref_slice %arg11[%dma_start3A_4, %dma_start3A_8] : memref<2x200xi32, #tpu.memory_space<vmem>> -> memref<1x200xi32, #tpu.memory_space<vmem>>
    %dma_start3A_10 = tpu.memref_squeeze %dma_start3A_9 : memref<1x200xi32, #tpu.memory_space<vmem>> -> memref<200xi32, #tpu.memory_space<vmem>>
    tpu.enqueue_dma source(%arg2 : memref<200xi32, #tpu.memory_space<hbm>>) target(%dma_start3A_10 : memref<200xi32, #tpu.memory_space<vmem>>) target_semaphore(%arg18 : memref<!tpu.dma_semaphore, #tpu.memory_space<semaphore_mem>>)
    %dma_start3A_11 = arith.constant 1 : i32
    %dma_start3A_12 = arith.constant 0 : i32
    %dma_start3A_13 = tpu.memref_slice %arg11[%dma_start3A_11, %dma_start3A_12] : memref<2x200xi32, #tpu.memory_space<vmem>> -> memref<1x200xi32, #tpu.memory_space<vmem>>
    %dma_start3A_14 = tpu.memref_squeeze %dma_start3A_13 : memref<1x200xi32, #tpu.memory_space<vmem>> -> memref<200xi32, #tpu.memory_space<vmem>>
    %dma_start3A_15 = arith.constant 0 : i32
    %dma_start3A_16 = tpu.memref_slice %arg11[%dma_start3A_11, %dma_start3A_15] : memref<2x200xi32, #tpu.memory_space<vmem>> -> memref<1x200xi32, #tpu.memory_space<vmem>>
    %dma_start3A_17 = tpu.memref_squeeze %dma_start3A_16 : memref<1x200xi32, #tpu.memory_space<vmem>> -> memref<200xi32, #tpu.memory_space<vmem>>
    tpu.enqueue_dma source(%arg3 : memref<200xi32, #tpu.memory_space<hbm>>) target(%dma_start3A_17 : memref<200xi32, #tpu.memory_space<vmem>>) target_semaphore(%arg18 : memref<!tpu.dma_semaphore, #tpu.memory_space<semaphore_mem>>)
    tpu.enqueue_dma source(%arg8 : memref<16xf32, #tpu.memory_space<hbm>>) target(%arg15 : memref<16xf32, #tpu.memory_space<vmem>>) target_semaphore(%arg18 : memref<!tpu.dma_semaphore, #tpu.memory_space<semaphore_mem>>)
    %broadcast_in_dim3A = arith.constant 0.000000e+00 : f32
    %broadcast_in_dim3A_18 = vector.broadcast %broadcast_in_dim3A : f32 to vector<16xf32>
    %swap3A = arith.constant 192 : index
    %swap3A_19 = tpu.vector_load %arg13[%swap3A] {strides = array<i32>} : memref<208xf32, #tpu.memory_space<vmem>>, vector<16xf32>,
    tpu.vector_store %arg13[%swap3A], %broadcast_in_dim3A_18 {strides = array<i32>} : memref<208xf32, #tpu.memory_space<vmem>>, vector<16xf32>,
    %swap3A_20 = arith.constant 192 : index
    %swap3A_21 = tpu.vector_load %arg14[%swap3A_20] {strides = array<i32>} : memref<208xf32, #tpu.memory_space<vmem>>, vector<16xf32>,
    tpu.vector_store %arg14[%swap3A_20], %broadcast_in_dim3A_18 {strides = array<i32>} : memref<208xf32, #tpu.memory_space<vmem>>, vector<16xf32>,
    %dma_wait3A = tpu.memref_slice %arg4[%mul3A_2] : memref<16384xi32, #tpu.memory_space<hbm>> -> memref<512xi32, #tpu.memory_space<hbm>>
    %dma_wait3A_22 = tpu.memref_slice %arg4[%mul3A_2] : memref<16384xi32, #tpu.memory_space<hbm>> -> memref<512xi32, #tpu.memory_space<hbm>>
    tpu.wait_dma2 semaphore(%arg18 : memref<!tpu.dma_semaphore, #tpu.memory_space<semaphore_mem>>) src(%dma_wait3A_22 : memref<512xi32, #tpu.memory_space<hbm>>) dst(%arg10 : memref<512xi32, #tpu.memory_space<vmem>>)
    %dma_wait3A_23 = arith.constant 0 : i32
    %dma_wait3A_24 = arith.constant 0 : i32
    %dma_wait3A_25 = tpu.memref_slice %arg11[%dma_wait3A_23, %dma_wait3A_24] : memref<2x200xi32, #tpu.memory_space<vmem>> -> memref<1x200xi32, #tpu.memory_space<vmem>>
    %dma_wait3A_26 = tpu.memref_squeeze %dma_wait3A_25 : memref<1x200xi32, #tpu.memory_space<vmem>> -> memref<200xi32, #tpu.memory_space<vmem>>
    %dma_wait3A_27 = arith.constant 0 : i32
    %dma_wait3A_28 = tpu.memref_slice %arg11[%dma_wait3A_23, %dma_wait3A_27] : memref<2x200xi32, #tpu.memory_space<vmem>> -> memref<1x200xi32, #tpu.memory_space<vmem>>
    %dma_wait3A_29 = tpu.memref_squeeze %dma_wait3A_28 : memref<1x200xi32, #tpu.memory_space<vmem>> -> memref<200xi32, #tpu.memory_space<vmem>>
    tpu.wait_dma2 semaphore(%arg18 : memref<!tpu.dma_semaphore, #tpu.memory_space<semaphore_mem>>) src(%arg2 : memref<200xi32, #tpu.memory_space<hbm>>) dst(%dma_wait3A_29 : memref<200xi32, #tpu.memory_space<vmem>>)
    %dma_wait3A_30 = arith.constant 1 : i32
    %dma_wait3A_31 = arith.constant 0 : i32
    %dma_wait3A_32 = tpu.memref_slice %arg11[%dma_wait3A_30, %dma_wait3A_31] : memref<2x200xi32, #tpu.memory_space<vmem>> -> memref<1x200xi32, #tpu.memory_space<vmem>>
    %dma_wait3A_33 = tpu.memref_squeeze %dma_wait3A_32 : memref<1x200xi32, #tpu.memory_space<vmem>> -> memref<200xi32, #tpu.memory_space<vmem>>
    %dma_wait3A_34 = arith.constant 0 : i32
    %dma_wait3A_35 = tpu.memref_slice %arg11[%dma_wait3A_30, %dma_wait3A_34] : memref<2x200xi32, #tpu.memory_space<vmem>> -> memref<1x200xi32, #tpu.memory_space<vmem>>
    %dma_wait3A_36 = tpu.memref_squeeze %dma_wait3A_35 : memref<1x200xi32, #tpu.memory_space<vmem>> -> memref<200xi32, #tpu.memory_space<vmem>>
    tpu.wait_dma2 semaphore(%arg18 : memref<!tpu.dma_semaphore, #tpu.memory_space<semaphore_mem>>) src(%arg3 : memref<200xi32, #tpu.memory_space<hbm>>) dst(%dma_wait3A_36 : memref<200xi32, #tpu.memory_space<vmem>>)
    tpu.wait_dma2 semaphore(%arg18 : memref<!tpu.dma_semaphore, #tpu.memory_space<semaphore_mem>>) src(%arg8 : memref<16xf32, #tpu.memory_space<hbm>>) dst(%arg15 : memref<16xf32, #tpu.memory_space<vmem>>)
    %dma_start3A_37 = arith.constant 0 : i32
    %dma_start3A_38 = tpu.memref_slice %arg12[%dma_start3A_37] : memref<512xf32, #tpu.memory_space<vmem>> -> memref<128xf32, #tpu.memory_space<vmem>>
    %dma_start3A_39 = arith.constant 0 : i32
    %dma_start3A_40 = tpu.memref_slice %arg10[%dma_start3A_39] : memref<512xi32, #tpu.memory_space<vmem>> -> memref<128xi32, #tpu.memory_space<vmem>>
    %dma_start3A_41 = arith.constant 0 : i32
    %dma_start3A_42 = tpu.memref_slice %arg5[%dma_start3A_41] : memref<1000000xf32, #tpu.memory_space<hbm>> -> memref<1000000xf32, #tpu.memory_space<hbm>>
    tpu.enqueue_indirect_dma source(%dma_start3A_42 : memref<1000000xf32, #tpu.memory_space<hbm>>) target(%dma_start3A_38 : memref<128xf32, #tpu.memory_space<vmem>>) offsets(%dma_start3A_40 : memref<128xi32, #tpu.memory_space<vmem>>) semaphore(%arg17 : memref<!tpu.dma_semaphore, #tpu.memory_space<semaphore_mem>>)
    %dma_start3A_43 = arith.constant 128 : i32
    %dma_start3A_44 = tpu.memref_slice %arg12[%dma_start3A_43] : memref<512xf32, #tpu.memory_space<vmem>> -> memref<128xf32, #tpu.memory_space<vmem>>
    %dma_start3A_45 = arith.constant 128 : i32
    %dma_start3A_46 = tpu.memref_slice %arg10[%dma_start3A_45] : memref<512xi32, #tpu.memory_space<vmem>> -> memref<128xi32, #tpu.memory_space<vmem>>
    %dma_start3A_47 = arith.constant 0 : i32
    %dma_start3A_48 = tpu.memref_slice %arg5[%dma_start3A_47] : memref<1000000xf32, #tpu.memory_space<hbm>> -> memref<1000000xf32, #tpu.memory_space<hbm>>
    tpu.enqueue_indirect_dma source(%dma_start3A_48 : memref<1000000xf32, #tpu.memory_space<hbm>>) target(%dma_start3A_44 : memref<128xf32, #tpu.memory_space<vmem>>) offsets(%dma_start3A_46 : memref<128xi32, #tpu.memory_space<vmem>>) semaphore(%arg17 : memref<!tpu.dma_semaphore, #tpu.memory_space<semaphore_mem>>)
    %dma_start3A_49 = arith.constant 256 : i32
    %dma_start3A_50 = tpu.memref_slice %arg12[%dma_start3A_49] : memref<512xf32, #tpu.memory_space<vmem>> -> memref<128xf32, #tpu.memory_space<vmem>>
    %dma_start3A_51 = arith.constant 256 : i32
    %dma_start3A_52 = tpu.memref_slice %arg10[%dma_start3A_51] : memref<512xi32, #tpu.memory_space<vmem>> -> memref<128xi32, #tpu.memory_space<vmem>>
    %dma_start3A_53 = arith.constant 0 : i32
    %dma_start3A_54 = tpu.memref_slice %arg5[%dma_start3A_53] : memref<1000000xf32, #tpu.memory_space<hbm>> -> memref<1000000xf32, #tpu.memory_space<hbm>>
    tpu.enqueue_indirect_dma source(%dma_start3A_54 : memref<1000000xf32, #tpu.memory_space<hbm>>) target(%dma_start3A_50 : memref<128xf32, #tpu.memory_space<vmem>>) offsets(%dma_start3A_52 : memref<128xi32, #tpu.memory_space<vmem>>) semaphore(%arg17 : memref<!tpu.dma_semaphore, #tpu.memory_space<semaphore_mem>>)
    %dma_start3A_55 = arith.constant 384 : i32
    %dma_start3A_56 = tpu.memref_slice %arg12[%dma_start3A_55] : memref<512xf32, #tpu.memory_space<vmem>> -> memref<128xf32, #tpu.memory_space<vmem>>
    %dma_start3A_57 = arith.constant 384 : i32
    %dma_start3A_58 = tpu.memref_slice %arg10[%dma_start3A_57] : memref<512xi32, #tpu.memory_space<vmem>> -> memref<128xi32, #tpu.memory_space<vmem>>
    %dma_start3A_59 = arith.constant 0 : i32
    %dma_start3A_60 = tpu.memref_slice %arg5[%dma_start3A_59] : memref<1000000xf32, #tpu.memory_space<hbm>> -> memref<1000000xf32, #tpu.memory_space<hbm>>
    tpu.enqueue_indirect_dma source(%dma_start3A_60 : memref<1000000xf32, #tpu.memory_space<hbm>>) target(%dma_start3A_56 : memref<128xf32, #tpu.memory_space<vmem>>) offsets(%dma_start3A_58 : memref<128xi32, #tpu.memory_space<vmem>>) semaphore(%arg17 : memref<!tpu.dma_semaphore, #tpu.memory_space<semaphore_mem>>)
    %dma_start3A_61 = arith.constant 0 : i32
    %dma_start3A_62 = arith.constant 0 : i32
    %dma_start3A_63 = tpu.memref_slice %arg13[%dma_start3A_62] : memref<208xf32, #tpu.memory_space<vmem>> -> memref<128xf32, #tpu.memory_space<vmem>>
    %dma_start3A_64 = arith.constant 0 : i32
    %dma_start3A_65 = tpu.memref_slice %arg11[%dma_start3A_61, %dma_start3A_64] : memref<2x200xi32, #tpu.memory_space<vmem>> -> memref<1x128xi32, #tpu.memory_space<vmem>>
    %dma_start3A_66 = tpu.memref_squeeze %dma_start3A_65 : memref<1x128xi32, #tpu.memory_space<vmem>> -> memref<128xi32, #tpu.memory_space<vmem>>
    %dma_start3A_67 = arith.constant 0 : i32
    %dma_start3A_68 = tpu.memref_slice %arg6[%dma_start3A_67] : memref<1000xf32, #tpu.memory_space<hbm>> -> memref<1000xf32, #tpu.memory_space<hbm>>
    tpu.enqueue_indirect_dma source(%dma_start3A_68 : memref<1000xf32, #tpu.memory_space<hbm>>) target(%dma_start3A_63 : memref<128xf32, #tpu.memory_space<vmem>>) offsets(%dma_start3A_66 : memref<128xi32, #tpu.memory_space<vmem>>) semaphore(%arg18 : memref<!tpu.dma_semaphore, #tpu.memory_space<semaphore_mem>>)
    %dma_start3A_69 = arith.constant 0 : i32
    %dma_start3A_70 = arith.constant 128 : i32
    %dma_start3A_71 = tpu.memref_slice %arg13[%dma_start3A_70] : memref<208xf32, #tpu.memory_space<vmem>> -> memref<72xf32, #tpu.memory_space<vmem>>
    %dma_start3A_72 = arith.constant 128 : i32
    %dma_start3A_73 = tpu.memref_slice %arg11[%dma_start3A_69, %dma_start3A_72] : memref<2x200xi32, #tpu.memory_space<vmem>> -> memref<1x72xi32, #tpu.memory_space<vmem>>
    %dma_start3A_74 = tpu.memref_squeeze %dma_start3A_73 : memref<1x72xi32, #tpu.memory_space<vmem>> -> memref<72xi32, #tpu.memory_space<vmem>>
    %dma_start3A_75 = arith.constant 0 : i32
    %dma_start3A_76 = tpu.memref_slice %arg6[%dma_start3A_75] : memref<1000xf32, #tpu.memory_space<hbm>> -> memref<1000xf32, #tpu.memory_space<hbm>>
    tpu.enqueue_indirect_dma source(%dma_start3A_76 : memref<1000xf32, #tpu.memory_space<hbm>>) target(%dma_start3A_71 : memref<72xf32, #tpu.memory_space<vmem>>) offsets(%dma_start3A_74 : memref<72xi32, #tpu.memory_space<vmem>>) semaphore(%arg18 : memref<!tpu.dma_semaphore, #tpu.memory_space<semaphore_mem>>)
    %dma_start3A_77 = arith.constant 1 : i32
    %dma_start3A_78 = arith.constant 0 : i32
    %dma_start3A_79 = tpu.memref_slice %arg14[%dma_start3A_78] : memref<208xf32, #tpu.memory_space<vmem>> -> memref<128xf32, #tpu.memory_space<vmem>>
    %dma_start3A_80 = arith.constant 0 : i32
    %dma_start3A_81 = tpu.memref_slice %arg11[%dma_start3A_77, %dma_start3A_80] : memref<2x200xi32, #tpu.memory_space<vmem>> -> memref<1x128xi32, #tpu.memory_space<vmem>>
    %dma_start3A_82 = tpu.memref_squeeze %dma_start3A_81 : memref<1x128xi32, #tpu.memory_space<vmem>> -> memref<128xi32, #tpu.memory_space<vmem>>
    %dma_start3A_83 = arith.constant 0 : i32
    %dma_start3A_84 = tpu.memref_slice %arg7[%dma_start3A_83] : memref<100000xf32, #tpu.memory_space<hbm>> -> memref<100000xf32, #tpu.memory_space<hbm>>
    tpu.enqueue_indirect_dma source(%dma_start3A_84 : memref<100000xf32, #tpu.memory_space<hbm>>) target(%dma_start3A_79 : memref<128xf32, #tpu.memory_space<vmem>>) offsets(%dma_start3A_82 : memref<128xi32, #tpu.memory_space<vmem>>) semaphore(%arg18 : memref<!tpu.dma_semaphore, #tpu.memory_space<semaphore_mem>>)
    %dma_start3A_85 = arith.constant 1 : i32
    %dma_start3A_86 = arith.constant 128 : i32
    %dma_start3A_87 = tpu.memref_slice %arg14[%dma_start3A_86] : memref<208xf32, #tpu.memory_space<vmem>> -> memref<72xf32, #tpu.memory_space<vmem>>
    %dma_start3A_88 = arith.constant 128 : i32
    %dma_start3A_89 = tpu.memref_slice %arg11[%dma_start3A_85, %dma_start3A_88] : memref<2x200xi32, #tpu.memory_space<vmem>> -> memref<1x72xi32, #tpu.memory_space<vmem>>
    %dma_start3A_90 = tpu.memref_squeeze %dma_start3A_89 : memref<1x72xi32, #tpu.memory_space<vmem>> -> memref<72xi32, #tpu.memory_space<vmem>>
    %dma_start3A_91 = arith.constant 0 : i32
    %dma_start3A_92 = tpu.memref_slice %arg7[%dma_start3A_91] : memref<100000xf32, #tpu.memory_space<hbm>> -> memref<100000xf32, #tpu.memory_space<hbm>>
    tpu.enqueue_indirect_dma source(%dma_start3A_92 : memref<100000xf32, #tpu.memory_space<hbm>>) target(%dma_start3A_87 : memref<72xf32, #tpu.memory_space<vmem>>) offsets(%dma_start3A_90 : memref<72xi32, #tpu.memory_space<vmem>>) semaphore(%arg18 : memref<!tpu.dma_semaphore, #tpu.memory_space<semaphore_mem>>)
    %iota3A = tpu.iota {dimensions = array<i32: 0>} : vector<16xi32>
    %dma_wait3A_93 = arith.constant 0 : i32
    %dma_wait3A_94 = arith.constant 0 : i32
    %dma_wait3A_95 = tpu.memref_slice %arg13[%dma_wait3A_94] : memref<208xf32, #tpu.memory_space<vmem>> -> memref<128xf32, #tpu.memory_space<vmem>>
    %dma_wait3A_96 = arith.constant 0 : i32
    %dma_wait3A_97 = tpu.memref_slice %arg11[%dma_wait3A_93, %dma_wait3A_96] : memref<2x200xi32, #tpu.memory_space<vmem>> -> memref<1x128xi32, #tpu.memory_space<vmem>>
    %dma_wait3A_98 = tpu.memref_squeeze %dma_wait3A_97 : memref<1x128xi32, #tpu.memory_space<vmem>> -> memref<128xi32, #tpu.memory_space<vmem>>
    %dma_wait3A_99 = arith.constant 0 : i32
    %dma_wait3A_100 = tpu.memref_slice %arg6[%dma_wait3A_99] : memref<1000xf32, #tpu.memory_space<hbm>> -> memref<1000xf32, #tpu.memory_space<hbm>>
    tpu.wait_indirect_dma semaphore(%arg18 : memref<!tpu.dma_semaphore, #tpu.memory_space<semaphore_mem>>) src(%dma_wait3A_100 : memref<1000xf32, #tpu.memory_space<hbm>>) dst(%dma_wait3A_95 : memref<128xf32, #tpu.memory_space<vmem>>)
    %dma_wait3A_101 = arith.constant 0 : i32
    %dma_wait3A_102 = arith.constant 128 : i32
    %dma_wait3A_103 = tpu.memref_slice %arg13[%dma_wait3A_102] : memref<208xf32, #tpu.memory_space<vmem>> -> memref<72xf32, #tpu.memory_space<vmem>>
    %dma_wait3A_104 = arith.constant 128 : i32
    %dma_wait3A_105 = tpu.memref_slice %arg11[%dma_wait3A_101, %dma_wait3A_104] : memref<2x200xi32, #tpu.memory_space<vmem>> -> memref<1x72xi32, #tpu.memory_space<vmem>>
    %dma_wait3A_106 = tpu.memref_squeeze %dma_wait3A_105 : memref<1x72xi32, #tpu.memory_space<vmem>> -> memref<72xi32, #tpu.memory_space<vmem>>
    %dma_wait3A_107 = arith.constant 0 : i32
    %dma_wait3A_108 = tpu.memref_slice %arg6[%dma_wait3A_107] : memref<1000xf32, #tpu.memory_space<hbm>> -> memref<1000xf32, #tpu.memory_space<hbm>>
    tpu.wait_indirect_dma semaphore(%arg18 : memref<!tpu.dma_semaphore, #tpu.memory_space<semaphore_mem>>) src(%dma_wait3A_108 : memref<1000xf32, #tpu.memory_space<hbm>>) dst(%dma_wait3A_103 : memref<72xf32, #tpu.memory_space<vmem>>)
    %dma_wait3A_109 = arith.constant 1 : i32
    %dma_wait3A_110 = arith.constant 0 : i32
    %dma_wait3A_111 = tpu.memref_slice %arg14[%dma_wait3A_110] : memref<208xf32, #tpu.memory_space<vmem>> -> memref<128xf32, #tpu.memory_space<vmem>>
    %dma_wait3A_112 = arith.constant 0 : i32
    %dma_wait3A_113 = tpu.memref_slice %arg11[%dma_wait3A_109, %dma_wait3A_112] : memref<2x200xi32, #tpu.memory_space<vmem>> -> memref<1x128xi32, #tpu.memory_space<vmem>>
    %dma_wait3A_114 = tpu.memref_squeeze %dma_wait3A_113 : memref<1x128xi32, #tpu.memory_space<vmem>> -> memref<128xi32, #tpu.memory_space<vmem>>
    %dma_wait3A_115 = arith.constant 0 : i32
    %dma_wait3A_116 = tpu.memref_slice %arg7[%dma_wait3A_115] : memref<100000xf32, #tpu.memory_space<hbm>> -> memref<100000xf32, #tpu.memory_space<hbm>>
    tpu.wait_indirect_dma semaphore(%arg18 : memref<!tpu.dma_semaphore, #tpu.memory_space<semaphore_mem>>) src(%dma_wait3A_116 : memref<100000xf32, #tpu.memory_space<hbm>>) dst(%dma_wait3A_111 : memref<128xf32, #tpu.memory_space<vmem>>)
    %dma_wait3A_117 = arith.constant 1 : i32
    %dma_wait3A_118 = arith.constant 128 : i32
    %dma_wait3A_119 = tpu.memref_slice %arg14[%dma_wait3A_118] : memref<208xf32, #tpu.memory_space<vmem>> -> memref<72xf32, #tpu.memory_space<vmem>>
    %dma_wait3A_120 = arith.constant 128 : i32
    %dma_wait3A_121 = tpu.memref_slice %arg11[%dma_wait3A_117, %dma_wait3A_120] : memref<2x200xi32, #tpu.memory_space<vmem>> -> memref<1x72xi32, #tpu.memory_space<vmem>>
    %dma_wait3A_122 = tpu.memref_squeeze %dma_wait3A_121 : memref<1x72xi32, #tpu.memory_space<vmem>> -> memref<72xi32, #tpu.memory_space<vmem>>
    %dma_wait3A_123 = arith.constant 0 : i32
    %dma_wait3A_124 = tpu.memref_slice %arg7[%dma_wait3A_123] : memref<100000xf32, #tpu.memory_space<hbm>> -> memref<100000xf32, #tpu.memory_space<hbm>>
    tpu.wait_indirect_dma semaphore(%arg18 : memref<!tpu.dma_semaphore, #tpu.memory_space<semaphore_mem>>) src(%dma_wait3A_124 : memref<100000xf32, #tpu.memory_space<hbm>>) dst(%dma_wait3A_119 : memref<72xf32, #tpu.memory_space<vmem>>)
    %get3A = arith.constant 0 : index
    %get3A_125 = tpu.vector_load %arg13[%get3A] {strides = array<i32>} : memref<208xf32, #tpu.memory_space<vmem>>, vector<16xf32>,
    %add3A_126 = arith.addf %broadcast_in_dim3A_18, %get3A_125 : vector<16xf32>
    %get3A_127 = arith.constant 0 : index
    %get3A_128 = tpu.vector_load %arg14[%get3A_127] {strides = array<i32>} : memref<208xf32, #tpu.memory_space<vmem>>, vector<16xf32>,
    %add3A_129 = arith.addf %broadcast_in_dim3A_18, %get3A_128 : vector<16xf32>
    %get3A_130 = arith.constant 16 : index
    %get3A_131 = tpu.vector_load %arg13[%get3A_130] {strides = array<i32>} : memref<208xf32, #tpu.memory_space<vmem>>, vector<16xf32>,
    %add3A_132 = arith.addf %add3A_126, %get3A_131 : vector<16xf32>
    %get3A_133 = arith.constant 16 : index
    %get3A_134 = tpu.vector_load %arg14[%get3A_133] {strides = array<i32>} : memref<208xf32, #tpu.memory_space<vmem>>, vector<16xf32>,
    %add3A_135 = arith.addf %add3A_129, %get3A_134 : vector<16xf32>
    %get3A_136 = arith.constant 32 : index
    %get3A_137 = tpu.vector_load %arg13[%get3A_136] {strides = array<i32>} : memref<208xf32, #tpu.memory_space<vmem>>, vector<16xf32>,
    %add3A_138 = arith.addf %add3A_132, %get3A_137 : vector<16xf32>
    %get3A_139 = arith.constant 32 : index
    %get3A_140 = tpu.vector_load %arg14[%get3A_139] {strides = array<i32>} : memref<208xf32, #tpu.memory_space<vmem>>, vector<16xf32>,
    %add3A_141 = arith.addf %add3A_135, %get3A_140 : vector<16xf32>
    %get3A_142 = arith.constant 48 : index
    %get3A_143 = tpu.vector_load %arg13[%get3A_142] {strides = array<i32>} : memref<208xf32, #tpu.memory_space<vmem>>, vector<16xf32>,
    %add3A_144 = arith.addf %add3A_138, %get3A_143 : vector<16xf32>
    %get3A_145 = arith.constant 48 : index
    %get3A_146 = tpu.vector_load %arg14[%get3A_145] {strides = array<i32>} : memref<208xf32, #tpu.memory_space<vmem>>, vector<16xf32>,
    %add3A_147 = arith.addf %add3A_141, %get3A_146 : vector<16xf32>
    %get3A_148 = arith.constant 64 : index
    %get3A_149 = tpu.vector_load %arg13[%get3A_148] {strides = array<i32>} : memref<208xf32, #tpu.memory_space<vmem>>, vector<16xf32>,
    %add3A_150 = arith.addf %add3A_144, %get3A_149 : vector<16xf32>
    %get3A_151 = arith.constant 64 : index
    %get3A_152 = tpu.vector_load %arg14[%get3A_151] {strides = array<i32>} : memref<208xf32, #tpu.memory_space<vmem>>, vector<16xf32>,
    %add3A_153 = arith.addf %add3A_147, %get3A_152 : vector<16xf32>
    %get3A_154 = arith.constant 80 : index
    %get3A_155 = tpu.vector_load %arg13[%get3A_154] {strides = array<i32>} : memref<208xf32, #tpu.memory_space<vmem>>, vector<16xf32>,
    %add3A_156 = arith.addf %add3A_150, %get3A_155 : vector<16xf32>
    %get3A_157 = arith.constant 80 : index
    %get3A_158 = tpu.vector_load %arg14[%get3A_157] {strides = array<i32>} : memref<208xf32, #tpu.memory_space<vmem>>, vector<16xf32>,
    %add3A_159 = arith.addf %add3A_153, %get3A_158 : vector<16xf32>
    %get3A_160 = arith.constant 96 : index
    %get3A_161 = tpu.vector_load %arg13[%get3A_160] {strides = array<i32>} : memref<208xf32, #tpu.memory_space<vmem>>, vector<16xf32>,
    %add3A_162 = arith.addf %add3A_156, %get3A_161 : vector<16xf32>
    %get3A_163 = arith.constant 96 : index
    %get3A_164 = tpu.vector_load %arg14[%get3A_163] {strides = array<i32>} : memref<208xf32, #tpu.memory_space<vmem>>, vector<16xf32>,
    %add3A_165 = arith.addf %add3A_159, %get3A_164 : vector<16xf32>
    %get3A_166 = arith.constant 112 : index
    %get3A_167 = tpu.vector_load %arg13[%get3A_166] {strides = array<i32>} : memref<208xf32, #tpu.memory_space<vmem>>, vector<16xf32>,
    %add3A_168 = arith.addf %add3A_162, %get3A_167 : vector<16xf32>
    %get3A_169 = arith.constant 112 : index
    %get3A_170 = tpu.vector_load %arg14[%get3A_169] {strides = array<i32>} : memref<208xf32, #tpu.memory_space<vmem>>, vector<16xf32>,
    %add3A_171 = arith.addf %add3A_165, %get3A_170 : vector<16xf32>
    %get3A_172 = arith.constant 128 : index
    %get3A_173 = tpu.vector_load %arg13[%get3A_172] {strides = array<i32>} : memref<208xf32, #tpu.memory_space<vmem>>, vector<16xf32>,
    %add3A_174 = arith.addf %add3A_168, %get3A_173 : vector<16xf32>
    %get3A_175 = arith.constant 128 : index
    %get3A_176 = tpu.vector_load %arg14[%get3A_175] {strides = array<i32>} : memref<208xf32, #tpu.memory_space<vmem>>, vector<16xf32>,
    %add3A_177 = arith.addf %add3A_171, %get3A_176 : vector<16xf32>
    %get3A_178 = arith.constant 144 : index
    %get3A_179 = tpu.vector_load %arg13[%get3A_178] {strides = array<i32>} : memref<208xf32, #tpu.memory_space<vmem>>, vector<16xf32>,
    %add3A_180 = arith.addf %add3A_174, %get3A_179 : vector<16xf32>
    %get3A_181 = arith.constant 144 : index
    %get3A_182 = tpu.vector_load %arg14[%get3A_181] {strides = array<i32>} : memref<208xf32, #tpu.memory_space<vmem>>, vector<16xf32>,
    %add3A_183 = arith.addf %add3A_177, %get3A_182 : vector<16xf32>
    %get3A_184 = arith.constant 160 : index
    %get3A_185 = tpu.vector_load %arg13[%get3A_184] {strides = array<i32>} : memref<208xf32, #tpu.memory_space<vmem>>, vector<16xf32>,
    %add3A_186 = arith.addf %add3A_180, %get3A_185 : vector<16xf32>
    %get3A_187 = arith.constant 160 : index
    %get3A_188 = tpu.vector_load %arg14[%get3A_187] {strides = array<i32>} : memref<208xf32, #tpu.memory_space<vmem>>, vector<16xf32>,
    %add3A_189 = arith.addf %add3A_183, %get3A_188 : vector<16xf32>
    %get3A_190 = arith.constant 176 : index
    %get3A_191 = tpu.vector_load %arg13[%get3A_190] {strides = array<i32>} : memref<208xf32, #tpu.memory_space<vmem>>, vector<16xf32>,
    %add3A_192 = arith.addf %add3A_186, %get3A_191 : vector<16xf32>
    %get3A_193 = arith.constant 176 : index
    %get3A_194 = tpu.vector_load %arg14[%get3A_193] {strides = array<i32>} : memref<208xf32, #tpu.memory_space<vmem>>, vector<16xf32>,
    %add3A_195 = arith.addf %add3A_189, %get3A_194 : vector<16xf32>
    %get3A_196 = arith.constant 192 : index
    %get3A_197 = tpu.vector_load %arg13[%get3A_196] {strides = array<i32>} : memref<208xf32, #tpu.memory_space<vmem>>, vector<16xf32>,
    %add3A_198 = arith.addf %add3A_192, %get3A_197 : vector<16xf32>
    %get3A_199 = arith.constant 192 : index
    %get3A_200 = tpu.vector_load %arg14[%get3A_199] {strides = array<i32>} : memref<208xf32, #tpu.memory_space<vmem>>, vector<16xf32>,
    %add3A_201 = arith.addf %add3A_195, %get3A_200 : vector<16xf32>
    %xor3A = arith.constant 1 : i32
    %xor3A_202 = vector.broadcast %xor3A : i32 to vector<16xi32>
    %xor3A_203 = arith.xori %iota3A, %xor3A_202 : vector<16xi32>
    %broadcast_in_dim3A_204 = vector.shape_cast %xor3A_203 : vector<16xi32> to vector<16x1xi32>
    %gather3A = vector.shape_cast %broadcast_in_dim3A_204 : vector<16x1xi32> to vector<16xi32>
    %gather3A_205 = tpu.dynamic_gather %add3A_198[%gather3A] in [0] : vector<16xf32>, vector<16xi32> -> vector<16xf32>
    %add3A_206 = arith.addf %add3A_198, %gather3A_205 : vector<16xf32>
    %xor3A_207 = arith.constant 2 : i32
    %xor3A_208 = vector.broadcast %xor3A_207 : i32 to vector<16xi32>
    %xor3A_209 = arith.xori %iota3A, %xor3A_208 : vector<16xi32>
    %broadcast_in_dim3A_210 = vector.shape_cast %xor3A_209 : vector<16xi32> to vector<16x1xi32>
    %gather3A_211 = vector.shape_cast %broadcast_in_dim3A_210 : vector<16x1xi32> to vector<16xi32>
    %gather3A_212 = tpu.dynamic_gather %add3A_206[%gather3A_211] in [0] : vector<16xf32>, vector<16xi32> -> vector<16xf32>
    %add3A_213 = arith.addf %add3A_206, %gather3A_212 : vector<16xf32>
    %xor3A_214 = arith.constant 4 : i32
    %xor3A_215 = vector.broadcast %xor3A_214 : i32 to vector<16xi32>
    %xor3A_216 = arith.xori %iota3A, %xor3A_215 : vector<16xi32>
    %broadcast_in_dim3A_217 = vector.shape_cast %xor3A_216 : vector<16xi32> to vector<16x1xi32>
    %gather3A_218 = vector.shape_cast %broadcast_in_dim3A_217 : vector<16x1xi32> to vector<16xi32>
    %gather3A_219 = tpu.dynamic_gather %add3A_213[%gather3A_218] in [0] : vector<16xf32>, vector<16xi32> -> vector<16xf32>
    %add3A_220 = arith.addf %add3A_213, %gather3A_219 : vector<16xf32>
    %xor3A_221 = arith.constant 8 : i32
    %xor3A_222 = vector.broadcast %xor3A_221 : i32 to vector<16xi32>
    %xor3A_223 = arith.xori %iota3A, %xor3A_222 : vector<16xi32>
    %broadcast_in_dim3A_224 = vector.shape_cast %xor3A_223 : vector<16xi32> to vector<16x1xi32>
    %gather3A_225 = vector.shape_cast %broadcast_in_dim3A_224 : vector<16x1xi32> to vector<16xi32>
    %gather3A_226 = tpu.dynamic_gather %add3A_220[%gather3A_225] in [0] : vector<16xf32>, vector<16xi32> -> vector<16xf32>
    %add3A_227 = arith.addf %add3A_220, %gather3A_226 : vector<16xf32>
    %xor3A_228 = arith.constant 1 : i32
    %xor3A_229 = vector.broadcast %xor3A_228 : i32 to vector<16xi32>
    %xor3A_230 = arith.xori %iota3A, %xor3A_229 : vector<16xi32>
    %broadcast_in_dim3A_231 = vector.shape_cast %xor3A_230 : vector<16xi32> to vector<16x1xi32>
    %gather3A_232 = vector.shape_cast %broadcast_in_dim3A_231 : vector<16x1xi32> to vector<16xi32>
    %gather3A_233 = tpu.dynamic_gather %add3A_201[%gather3A_232] in [0] : vector<16xf32>, vector<16xi32> -> vector<16xf32>
    %add3A_234 = arith.addf %add3A_201, %gather3A_233 : vector<16xf32>
    %xor3A_235 = arith.constant 2 : i32
    %xor3A_236 = vector.broadcast %xor3A_235 : i32 to vector<16xi32>
    %xor3A_237 = arith.xori %iota3A, %xor3A_236 : vector<16xi32>
    %broadcast_in_dim3A_238 = vector.shape_cast %xor3A_237 : vector<16xi32> to vector<16x1xi32>
    %gather3A_239 = vector.shape_cast %broadcast_in_dim3A_238 : vector<16x1xi32> to vector<16xi32>
    %gather3A_240 = tpu.dynamic_gather %add3A_234[%gather3A_239] in [0] : vector<16xf32>, vector<16xi32> -> vector<16xf32>
    %add3A_241 = arith.addf %add3A_234, %gather3A_240 : vector<16xf32>
    %xor3A_242 = arith.constant 4 : i32
    %xor3A_243 = vector.broadcast %xor3A_242 : i32 to vector<16xi32>
    %xor3A_244 = arith.xori %iota3A, %xor3A_243 : vector<16xi32>
    %broadcast_in_dim3A_245 = vector.shape_cast %xor3A_244 : vector<16xi32> to vector<16x1xi32>
    %gather3A_246 = vector.shape_cast %broadcast_in_dim3A_245 : vector<16x1xi32> to vector<16xi32>
    %gather3A_247 = tpu.dynamic_gather %add3A_241[%gather3A_246] in [0] : vector<16xf32>, vector<16xi32> -> vector<16xf32>
    %add3A_248 = arith.addf %add3A_241, %gather3A_247 : vector<16xf32>
    %xor3A_249 = arith.constant 8 : i32
    %xor3A_250 = vector.broadcast %xor3A_249 : i32 to vector<16xi32>
    %xor3A_251 = arith.xori %iota3A, %xor3A_250 : vector<16xi32>
    %broadcast_in_dim3A_252 = vector.shape_cast %xor3A_251 : vector<16xi32> to vector<16x1xi32>
    %gather3A_253 = vector.shape_cast %broadcast_in_dim3A_252 : vector<16x1xi32> to vector<16xi32>
    %gather3A_254 = tpu.dynamic_gather %add3A_248[%gather3A_253] in [0] : vector<16xf32>, vector<16xi32> -> vector<16xf32>
    %add3A_255 = arith.addf %add3A_248, %gather3A_254 : vector<16xf32>
    %add3A_256 = arith.addf %add3A_227, %add3A_255 : vector<16xf32>
    %mul3A_257 = arith.constant 5.000000e-03 : f32
    %mul3A_258 = vector.broadcast %mul3A_257 : f32 to vector<16xf32>
    %mul3A_259 = arith.mulf %add3A_256, %mul3A_258 : vector<16xf32>
    %get3A_260 = arith.constant 0 : index
    %get3A_261 = tpu.vector_load %arg15[%get3A_260] {strides = array<i32>} : memref<16xf32, #tpu.memory_space<vmem>>, vector<16xf32>,
    %xor3A_262 = arith.constant 1 : i32
    %xor3A_263 = vector.broadcast %xor3A_262 : i32 to vector<16xi32>
    %xor3A_264 = arith.xori %iota3A, %xor3A_263 : vector<16xi32>
    %broadcast_in_dim3A_265 = vector.shape_cast %xor3A_264 : vector<16xi32> to vector<16x1xi32>
    %gather3A_266 = vector.shape_cast %broadcast_in_dim3A_265 : vector<16x1xi32> to vector<16xi32>
    %gather3A_267 = tpu.dynamic_gather %get3A_261[%gather3A_266] in [0] : vector<16xf32>, vector<16xi32> -> vector<16xf32>
    %add3A_268 = arith.addf %get3A_261, %gather3A_267 : vector<16xf32>
    %xor3A_269 = arith.constant 2 : i32
    %xor3A_270 = vector.broadcast %xor3A_269 : i32 to vector<16xi32>
    %xor3A_271 = arith.xori %iota3A, %xor3A_270 : vector<16xi32>
    %broadcast_in_dim3A_272 = vector.shape_cast %xor3A_271 : vector<16xi32> to vector<16x1xi32>
    %gather3A_273 = vector.shape_cast %broadcast_in_dim3A_272 : vector<16x1xi32> to vector<16xi32>
    %gather3A_274 = tpu.dynamic_gather %add3A_268[%gather3A_273] in [0] : vector<16xf32>, vector<16xi32> -> vector<16xf32>
    %add3A_275 = arith.addf %add3A_268, %gather3A_274 : vector<16xf32>
    %xor3A_276 = arith.constant 4 : i32
    %xor3A_277 = vector.broadcast %xor3A_276 : i32 to vector<16xi32>
    %xor3A_278 = arith.xori %iota3A, %xor3A_277 : vector<16xi32>
    %broadcast_in_dim3A_279 = vector.shape_cast %xor3A_278 : vector<16xi32> to vector<16x1xi32>
    %gather3A_280 = vector.shape_cast %broadcast_in_dim3A_279 : vector<16x1xi32> to vector<16xi32>
    %gather3A_281 = tpu.dynamic_gather %add3A_275[%gather3A_280] in [0] : vector<16xf32>, vector<16xi32> -> vector<16xf32>
    %add3A_282 = arith.addf %add3A_275, %gather3A_281 : vector<16xf32>
    %xor3A_283 = arith.constant 8 : i32
    %xor3A_284 = vector.broadcast %xor3A_283 : i32 to vector<16xi32>
    %xor3A_285 = arith.xori %iota3A, %xor3A_284 : vector<16xi32>
    %broadcast_in_dim3A_286 = vector.shape_cast %xor3A_285 : vector<16xi32> to vector<16x1xi32>
    %gather3A_287 = vector.shape_cast %broadcast_in_dim3A_286 : vector<16x1xi32> to vector<16xi32>
    %gather3A_288 = tpu.dynamic_gather %add3A_282[%gather3A_287] in [0] : vector<16xf32>, vector<16xi32> -> vector<16xf32>
    %add3A_289 = arith.addf %add3A_282, %gather3A_288 : vector<16xf32>
    %add3A_290 = arith.addf %mul3A_259, %add3A_289 : vector<16xf32>
    %dma_wait3A_291 = arith.constant 0 : i32
    %dma_wait3A_292 = tpu.memref_slice %arg12[%dma_wait3A_291] : memref<512xf32, #tpu.memory_space<vmem>> -> memref<128xf32, #tpu.memory_space<vmem>>
    %dma_wait3A_293 = arith.constant 0 : i32
    %dma_wait3A_294 = tpu.memref_slice %arg10[%dma_wait3A_293] : memref<512xi32, #tpu.memory_space<vmem>> -> memref<128xi32, #tpu.memory_space<vmem>>
    %dma_wait3A_295 = arith.constant 0 : i32
    %dma_wait3A_296 = tpu.memref_slice %arg5[%dma_wait3A_295] : memref<1000000xf32, #tpu.memory_space<hbm>> -> memref<1000000xf32, #tpu.memory_space<hbm>>
    tpu.wait_indirect_dma semaphore(%arg17 : memref<!tpu.dma_semaphore, #tpu.memory_space<semaphore_mem>>) src(%dma_wait3A_296 : memref<1000000xf32, #tpu.memory_space<hbm>>) dst(%dma_wait3A_292 : memref<128xf32, #tpu.memory_space<vmem>>)
    %dma_wait3A_297 = arith.constant 128 : i32
    %dma_wait3A_298 = tpu.memref_slice %arg12[%dma_wait3A_297] : memref<512xf32, #tpu.memory_space<vmem>> -> memref<128xf32, #tpu.memory_space<vmem>>
    %dma_wait3A_299 = arith.constant 128 : i32
    %dma_wait3A_300 = tpu.memref_slice %arg10[%dma_wait3A_299] : memref<512xi32, #tpu.memory_space<vmem>> -> memref<128xi32, #tpu.memory_space<vmem>>
    %dma_wait3A_301 = arith.constant 0 : i32
    %dma_wait3A_302 = tpu.memref_slice %arg5[%dma_wait3A_301] : memref<1000000xf32, #tpu.memory_space<hbm>> -> memref<1000000xf32, #tpu.memory_space<hbm>>
    tpu.wait_indirect_dma semaphore(%arg17 : memref<!tpu.dma_semaphore, #tpu.memory_space<semaphore_mem>>) src(%dma_wait3A_302 : memref<1000000xf32, #tpu.memory_space<hbm>>) dst(%dma_wait3A_298 : memref<128xf32, #tpu.memory_space<vmem>>)
    %dma_wait3A_303 = arith.constant 256 : i32
    %dma_wait3A_304 = tpu.memref_slice %arg12[%dma_wait3A_303] : memref<512xf32, #tpu.memory_space<vmem>> -> memref<128xf32, #tpu.memory_space<vmem>>
    %dma_wait3A_305 = arith.constant 256 : i32
    %dma_wait3A_306 = tpu.memref_slice %arg10[%dma_wait3A_305] : memref<512xi32, #tpu.memory_space<vmem>> -> memref<128xi32, #tpu.memory_space<vmem>>
    %dma_wait3A_307 = arith.constant 0 : i32
    %dma_wait3A_308 = tpu.memref_slice %arg5[%dma_wait3A_307] : memref<1000000xf32, #tpu.memory_space<hbm>> -> memref<1000000xf32, #tpu.memory_space<hbm>>
    tpu.wait_indirect_dma semaphore(%arg17 : memref<!tpu.dma_semaphore, #tpu.memory_space<semaphore_mem>>) src(%dma_wait3A_308 : memref<1000000xf32, #tpu.memory_space<hbm>>) dst(%dma_wait3A_304 : memref<128xf32, #tpu.memory_space<vmem>>)
    %dma_wait3A_309 = arith.constant 384 : i32
    %dma_wait3A_310 = tpu.memref_slice %arg12[%dma_wait3A_309] : memref<512xf32, #tpu.memory_space<vmem>> -> memref<128xf32, #tpu.memory_space<vmem>>
    %dma_wait3A_311 = arith.constant 384 : i32
    %dma_wait3A_312 = tpu.memref_slice %arg10[%dma_wait3A_311] : memref<512xi32, #tpu.memory_space<vmem>> -> memref<128xi32, #tpu.memory_space<vmem>>
    %dma_wait3A_313 = arith.constant 0 : i32
    %dma_wait3A_314 = tpu.memref_slice %arg5[%dma_wait3A_313] : memref<1000000xf32, #tpu.memory_space<hbm>> -> memref<1000000xf32, #tpu.memory_space<hbm>>
    tpu.wait_indirect_dma semaphore(%arg17 : memref<!tpu.dma_semaphore, #tpu.memory_space<semaphore_mem>>) src(%dma_wait3A_314 : memref<1000000xf32, #tpu.memory_space<hbm>>) dst(%dma_wait3A_310 : memref<128xf32, #tpu.memory_space<vmem>>)
    %scan3A = arith.constant 0 : i32
    %scan3A_315 = arith.constant 0 : i32
    %scan3A_316 = arith.constant 32 : i32
    %scan3A_317 = arith.addi %scan3A_315, %scan3A_316 : i32
    %scan3A_318 = arith.constant 1 : i32
    %scan3A_319 = scf.for %scan3A_321 = %scan3A_315 to %scan3A_317 step %scan3A_318 iter_args(%scan3A_322 = %scan3A) -> (i32)  : i32 {
      %mul3A_323 = arith.constant 16 : i32
      %mul3A_324 = arith.muli %scan3A_321, %mul3A_323 : i32
      %get3A_325 = arith.index_cast %mul3A_324 : i32 to index
      %get3A_326 = tpu.vector_load %arg12[%get3A_325] {strides = array<i32>} : memref<512xf32, #tpu.memory_space<vmem>>, vector<16xf32>,
      %add3A_327 = arith.addf %get3A_326, %add3A_290 : vector<16xf32>
      %mul3A_328 = arith.constant 16 : i32
      %mul3A_329 = arith.muli %scan3A_321, %mul3A_328 : i32
      %swap3A_330 = arith.index_cast %mul3A_329 : i32 to index
      %swap3A_331 = tpu.vector_load %arg16[%swap3A_330] {strides = array<i32>} : memref<512xf32, #tpu.memory_space<vmem>>, vector<16xf32>,
      tpu.vector_store %arg16[%swap3A_330], %add3A_327 {strides = array<i32>} : memref<512xf32, #tpu.memory_space<vmem>>, vector<16xf32>,
      %scan3A_332 = arith.constant 0 : i32
      scf.yield %scan3A_332 : i32
    }
    %scan3A_320 = arith.constant 32 : i32
    "tpu.region"() ({
      %run_scoped3A = tpu.sem_alloc : memref<!tpu.dma_semaphore, #tpu.memory_space<semaphore_mem>>
      %dma_start3A_321 = tpu.memref_slice %arg9[%mul3A_2] : memref<16384xf32, #tpu.memory_space<hbm>> -> memref<512xf32, #tpu.memory_space<hbm>>
      %dma_start3A_322 = tpu.memref_slice %arg9[%mul3A_2] : memref<16384xf32, #tpu.memory_space<hbm>> -> memref<512xf32, #tpu.memory_space<hbm>>
      tpu.enqueue_dma source(%arg16 : memref<512xf32, #tpu.memory_space<vmem>>) target(%dma_start3A_322 : memref<512xf32, #tpu.memory_space<hbm>>) target_semaphore(%run_scoped3A : memref<!tpu.dma_semaphore, #tpu.memory_space<semaphore_mem>>)
      %dma_wait3A_323 = tpu.memref_slice %arg9[%mul3A_2] : memref<16384xf32, #tpu.memory_space<hbm>> -> memref<512xf32, #tpu.memory_space<hbm>>
      %dma_wait3A_324 = tpu.memref_slice %arg9[%mul3A_2] : memref<16384xf32, #tpu.memory_space<hbm>> -> memref<512xf32, #tpu.memory_space<hbm>>
      tpu.wait_dma2 semaphore(%run_scoped3A : memref<!tpu.dma_semaphore, #tpu.memory_space<semaphore_mem>>) src(%arg16 : memref<512xf32, #tpu.memory_space<vmem>>) dst(%dma_wait3A_324 : memref<512xf32, #tpu.memory_space<hbm>>)
      tpu.yield
    }) : () -> ()
    return
  }
}

</mosaic_0001>

<sc_bundles>
// kernel: _run.3.cloned.1.call-start
scs
__scs_entry_jumppad:
0x0: {  	(pc) =	sbr.rel $0x88, $3  }
0x1: {  	(tag) =	ssettag $0x0;
	lr =	simm.s32 $0x1  }
0x2: {  	[smem:$0x3F9A] =	sst lr;
	_ =	strace $0xD0000000  }
0x3: {  	_ = 	snop  }
0x4: {  	_ = 	snop  }
0x5: {  	_ = 	snop  }
0x6: {  	_ = 	snop  }
0x7: {  	_ = 	snop  }
__scs_overlays_trampoline_lowered:
0x8: {  	[smem:$0x3FA9] =	sst s0  }
0x9: {  	[smem:$0x3FAA] =	sst s1  }
0xa: {  	[smem:$0x3FAB] =	sst s2  }
0xb: {  	[smem:$0x3FAC] =	sst s3  }
0xc: {  	[smem:$0x3FAD] =	sst s4  }
0xd: {  	[smem:$0x3FAE] =	sst s5  }
0xe: {  	[smem:$0x3FAF] =	sst s6  }
0xf: {  	[smem:$0x3FB0] =	sst s7  }
0x10: {  	[smem:$0x3FB1] =	sst s8  }
0x11: {  	[smem:$0x3FB2] =	sst s9;
	s0 =	simm.s32 @!p0 $0x0  }
0x12: {  	s1 =	sld [smem:$0x3F98];
	s0 =	simm.s32 @p0 $0x1  }
0x13: {  	[smem:$0x3FB3] =	sst s0;
	s0 =	simm.s32 @!p1 $0x0  }
0x14: {  	s2 =	sld [smem:$0x3F97];
	s0 =	simm.s32 @p1 $0x1  }
0x15: {  	[smem:$0x3FB4] =	sst s0;
	s0 =	simm.s32 @!p2 $0x0  }
0x16: {  	s3 =	sld [smem:$0x3FDB];
	s0 =	simm.s32 @p2 $0x1  }
0x17: {  	s4 =	simm.s32 $0x1BF5;
	[smem:$0x3FB6] =	sst s0  }
0x18: {  	s0 =	sld [smem:$0x3F99];
	_ =	swait.ge [sflag:s4], $0x0  }
0x19: {  	s7 =	sld [smem:$0x3F9A]  }
0x1a: {  	s8 =	sadd.s32 $0xFFFFE003, lr  }
0x1b: {  	s9 =	sadd.s32 $0xFFFFFEF7, lr;
	s5 =	simm.s32 $0xFFFFFFFF;
	p2 =	slt.u32 s8, $0xFFFFF086  }
0x1c: {  	p1 =	slt.u32 s9, $0xF7A;
	s5 =	simm.s32 @!p2 $0x0  }
0x1d: {  	s5 =	simm.s32 @p1 $0x1;
	p0 =	seq.s32 s7, s2  }
0x1e: {  	s7 =	smul.u32 @!p0 $0xF7A, s2;
	p2 =	seq.s32 @!p0 s5, $0x0  }
0x1f: {  	s9 =	smul.u32 $0xF7A, s1;
	s8 =	simm.s32 @!p0 $0x1BF5;
	p2 =	por !p2, p0  }
0x20: {  	[sflag:s8] =	ssyncset.s32 @!p0 $0xFFFFF086;
	s6 =	sadd.s32 @!p0 s3, s7;
	s7 =	simm.s32 @!p0 $0x108  }
0x21: {  	s3 =	sadd.s32 s3, s9;
	s6 =	sadd.s32 @!p0 $0x88, s6;
	s7 =	simm.s32 @p2 $0x1082  }
0x22: {  	[simem:s7], [sflag:s8] =	dma.local @!p0 [hbm:s6], $0xF7A  }
0x23: {  	s9 =	sor.u32 $0xD0000000, s2;
	s6 =	simm.s32 $0x108;
	_ =	swait.ge @!p0 [sflag:s8], $0x0  }
0x24: {  	s3 =	sadd.s32 $0x88, s3;
	s6 =	simm.s32 @!p1 $0x1082;
	[sflag:s4] =	ssyncset.s32 $0xFFFFF086  }
0x25: {  	[simem:s6], [sflag:s4] =	dma.local [hbm:s3], $0xF7A  }
0x26: {  	[smem:$0x3F9A] =	sst s1;
	(tag) =	ssettag s2;
	_ =	strace s9  }
0x27: {  	s1 =	sld [smem:$0x3FAA]  }
0x28: {  	s2 =	sld [smem:$0x3FAB]  }
0x29: {  	s4 =	sld [smem:$0x3FAD]  }
0x2a: {  	p0 =	seq.s32 s5, $0x0;
	s5 =	sld [smem:$0x3FAE]  }
0x2b: {  	s6 =	sld [smem:$0x3FAF]  }
0x2c: {  	s7 =	sld [smem:$0x3FB0]  }
0x2d: {  	s3 =	simm.s32 $0x108;
	s8 =	sld [smem:$0x3FB1]  }
0x2e: {  	s3 =	simm.s32 @!p0 $0x1082;
	s9 =	sld [smem:$0x3FB2]  }
0x2f: {  	lr =	sadd.s32 s0, s3;
	s0 =	sld [smem:$0x3FA9]  }
0x30: {  	s3 =	sld [smem:$0x3FAC]  }
0x31: {  	[smem:$0x3FB5] =	sst s10  }
0x32: {  	s10 =	sld [smem:$0x3FB3];
	_ =	sdelay $0x3  }
0x33: {  	p0 =	seq.s32 s10, $0x1;
	s10 =	sld [smem:$0x3FB5];
	_ =	sdelay $0x3  }
0x34: {  	[smem:$0x3FB5] =	sst s10  }
0x35: {  	s10 =	sld [smem:$0x3FB4];
	_ =	sdelay $0x3  }
0x36: {  	p1 =	seq.s32 s10, $0x1;
	s10 =	sld [smem:$0x3FB5];
	_ =	sdelay $0x3  }
0x37: {  	[smem:$0x3FB5] =	sst s10  }
0x38: {  	s10 =	sld [smem:$0x3FB6]  }
0x39: {  	_ = 	snop;
	(pc) =	sbr.ind lr, $3  }
0x3a: {  	_ = 	snop  }
0x3b: {  	_ = 	snop  }
0x3c: {  	p2 =	seq.s32 s10, $0x1;
	s10 =	sld [smem:$0x3FB5]  }
0x3d: {  	_ =	shalt  }
0x3e: {  	_ =	shalt  }
0x3f: {  	_ =	shalt  }
0x40: {  	_ =	shalt  }
0x41: {  	_ =	shalt  }
0x42: {  	_ =	shalt  }
0x43: {  	_ =	shalt  }
0x44: {  	_ =	shalt  }
0x45: {  	_ =	shalt  }
0x46: {  	_ =	shalt  }
0x47: {  	_ =	shalt  }
0x48: {  	_ =	shalt  }
0x49: {  	_ =	shalt  }
0x4a: {  	_ =	shalt  }
0x4b: {  	_ =	shalt  }
0x4c: {  	_ =	shalt  }
0x4d: {  	_ =	shalt  }
0x4e: {  	_ =	shalt  }
0x4f: {  	_ =	shalt  }
0x50: {  	_ =	shalt  }
0x51: {  	_ =	shalt  }
0x52: {  	_ =	shalt  }
0x53: {  	_ =	shalt  }
0x54: {  	_ =	shalt  }
0x55: {  	_ =	shalt  }
0x56: {  	_ =	shalt  }
0x57: {  	_ =	shalt  }
0x58: {  	_ =	shalt  }
0x59: {  	_ =	shalt  }
0x5a: {  	_ =	shalt  }
0x5b: {  	_ =	shalt  }
0x5c: {  	_ =	shalt  }
0x5d: {  	_ =	shalt  }
0x5e: {  	_ =	shalt  }
0x5f: {  	_ =	shalt  }
0x60: {  	_ =	shalt  }
0x61: {  	_ =	shalt  }
0x62: {  	_ =	shalt  }
0x63: {  	_ =	shalt  }
0x64: {  	_ =	shalt  }
0x65: {  	_ =	shalt  }
0x66: {  	_ =	shalt  }
0x67: {  	_ =	shalt  }
0x68: {  	_ =	shalt  }
0x69: {  	_ =	shalt  }
0x6a: {  	_ =	shalt  }
0x6b: {  	_ =	shalt  }
0x6c: {  	_ =	shalt  }
0x6d: {  	_ =	shalt  }
0x6e: {  	_ =	shalt  }
0x6f: {  	_ =	shalt  }
0x70: {  	_ =	shalt  }
0x71: {  	_ =	shalt  }
0x72: {  	_ =	shalt  }
0x73: {  	_ =	shalt  }
0x74: {  	_ =	shalt  }
0x75: {  	_ =	shalt  }
0x76: {  	_ =	shalt  }
0x77: {  	_ =	shalt  }
0x78: {  	_ =	shalt  }
0x79: {  	_ =	shalt  }
0x7a: {  	_ =	shalt  }
0x7b: {  	_ =	shalt  }
0x7c: {  	_ =	shalt  }
0x7d: {  	_ =	shalt  }
0x7e: {  	_ =	shalt  }
0x7f: {  	_ =	shalt  }
0x80: {  	_ =	shalt  }
0x81: {  	_ =	shalt  }
0x82: {  	_ =	shalt  }
0x83: {  	_ =	shalt  }
0x84: {  	_ =	shalt  }
0x85: {  	_ =	shalt  }
0x86: {  	_ =	shalt  }
0x87: {  	_ =	shalt  }
.Lfunc_end0:
.L_simem_size_0:
called_computation_lowered:
.L_overlay_start_0:
0x88: {  	s2 =	sld [smem:$0x3FD9]  }
0x89: {  	s3 =	sld [smem:$0x3FFE];
	_ =	sdelay $0x1  }
0x8a: {  	s1 =	srdreg.scid  }
0x8b: {  	s0 =	sand.u32 $0x1, s1  }
0x8c: {  	s18 =	sshll.u32 s0, $0xA;
	s2 =	sadd.s32 s3, s2  }
0x8d: {  	s2 =	sadd.s32 s2, s18  }
0x8e: {  	[smem:$0x3FC1] =	sst s2  }
0x8f: {  	_ = 	snop  }
0x90: {  	s2 =	sld [smem:$0x3FC9]  }
0x91: {  	s19 =	sld [smem:$0x3FC8]  }
0x92: {  	s4 =	sld [smem:$0x3FC7]  }
0x93: {  	s5 =	sld [smem:$0x3FC6]  }
0x94: {  	s6 =	sld [smem:$0x3FC5]  }
0x95: {  	s7 =	sld [smem:$0x3FC4]  }
0x96: {  	s8 =	sld [smem:$0x3FC3]  }
0x97: {  	s9 =	sld [smem:$0x3FD0];
	(tm) =	ssettm $0x1  }
0x98: {  	s10 =	sld [smem:$0x3FFB];
	_ =	sdelay $0x3  }
0x99: {  	_ =	strace s10  }
0x9a: {  	s10 =	sld [smem:$0x3FFC];
	_ =	sdelay $0x3  }
0x9b: {  	_ =	strace s10  }
0x9c: {  	s10 =	sld [smem:$0x3FFD];
	_ =	sdelay $0x3  }
0x9d: {  	_ =	strace s10  }
0x9e: {  	_ =	strace $0x8FFFFFFF  }
0x9f: {  	s20 =	sld [smem:$0x3FDB];
	_ =	sdelay $0x1  }
0xa0: {  	s11 =	simm.s32 $_scs_section_size  }
0xa1: {  	s12 =	simm.s32 $_size__tile_overlayer_lowered;
	s13 =	simm.s32 $_tile_overlayer_lowered  }
0xa2: {  	s23 =	simm.s32 $0x1BFF;
	s22 =	sshll.u32 s13, $0x1;
	s10 =	sadd.s32 s11, s20  }
0xa3: {  	s14 =	simm.s32 $0x0;
	s21 =	sshll.u32 s12, $0x1;
	s12 =	sadd.s32 s22, s10  }
0xa4: {  	[timem:s14], [sflag:s23] =	dma.local [hbm:s12], s21  }
0xa5: {  	_ =	swait.ge [sflag:s23], s21  }
0xa6: {  	s11 =	ssub.s32 $0x0, s21;
	[sflag:s23] =	ssyncset.done $0x0  }
0xa7: {  	[sflag:s23] =	ssyncadd.s32 s11;
	_ =	sdelay $0x1  }
0xa8: {  	s24 =	simm.s32 $0x1B8B  }
0xa9: {  	_ =	swait.ge [sflag:s24], $0x1  }
0xaa: {  	[sflag:s24] =	ssyncset.done $0x0  }
0xab: {  	s25 =	simm.s32 $0x1B8E;
	[sflag:s24] =	ssyncadd.s32 $0xFFFFFFFF  }
0xac: {  	s26 =	simm.s32 $execute0_lowered;
	[smem:$0x3FD2] =	sst s25  }
0xad: {  	s11 =	sshll.u32 s26, $0x1;
	_ =	strace $0x80000046;
	[dreg:$0x1] =	wrdreg $0xFFFFFFFF  }
0xae: {  	s28 =	simm.s32 $_size_execute0_lowered;
	s10 =	sadd.s32 s10, s11;
	[dreg:$0x0] =	wrdreg $0x0  }
0xaf: {  	s11 =	sshll.u32 s28, $0x1;
	[dreg:$0x2] =	wrdreg s10  }
0xb0: {  	[dreg:$0x3] =	wrdreg s11  }
0xb1: {  	[dreg:$0x4] =	wrdreg $0xC0  }
0xb2: {  	_ =	task [dreg:s14], $0x5FFFF  }
0xb3: {  	[dreg:$0x1] =	wrdreg $0xFFFFFFFF  }
0xb4: {  	[dreg:$0x0] =	wrdreg $0x60  }
0xb5: {  	[dreg:$0x2] =	wrdreg s2  }
0xb6: {  	[dreg:$0x3] =	wrdreg s19  }
0xb7: {  	[dreg:$0x4] =	wrdreg s4  }
0xb8: {  	[dreg:$0x5] =	wrdreg s5  }
0xb9: {  	[dreg:$0x6] =	wrdreg s6  }
0xba: {  	[dreg:$0x7] =	wrdreg s7  }
0xbb: {  	[dreg:$0x8] =	wrdreg s8  }
0xbc: {  	[dreg:$0x9] =	wrdreg s9  }
0xbd: {  	[dreg:$0xa] =	wrdreg $0x9  }
0xbe: {  	_ =	task.clear_ibuf [dreg:s14], $0xBFFFF;
	_ =	strace $0x90000046  }
0xbf: {  	s29 =	simm.s32 $0x9;
	_ =	strace $0x80000048  }
0xc0: {  	_ =	swait.ge [sflag:s29], $0x1  }
0xc1: {  	[sflag:s29] =	ssyncadd.s32 $0xFFFFFFFF  }
0xc2: {  	_ =	strace $0x90000048  }
0xc3: {  	_ =	sfence  }
0xc4: {  	s30 =	sld [smem:$0x0];
	_ =	sdelay $0x2  }
0xc5: {  	s31 =	sshll.u32 s1, $0xD;
	s1 =	sshrl.u32 s1, $0x2  }
0xc6: {  	s3 =	sand.u32 $0x4000, s31;
	s1 =	sadd.s32 s1, s30  }
0xc7: {  	s0 =	sor.u32 s3, s0;
	s1 =	sshll.u32 s1, $0x11  }
0xc8: {  	s0 =	sor.u32 s1, s0  }
0xc9: {  	s0 =	sadd.s32 $0x8F2B, s0  }
0xca: {  	[sflag:s0] =	ssyncadd.remote.s32 $0x1  }
0xcb: {  	_ =	sfence.sel $0xFFFF  }
0xcc: {  	[dreg:$0x0] =	wrdreg $0xFFFFFFFF;
	(pc) =	sbr.abs _section_cstart, $3  }
0xcd: {  	[dreg:$0x1] =	wrdreg $0xFFFFFFFF  }
0xce: {  	_ =	task.clear_ibuf [dreg:s14], $0x2FFFF;
	_ =	strace $0x9FFFFFFF  }
0xcf: {  	(tm) =	ssettm $0x7FFFFFFF  }
tec
execute0_lowered:
.L_overlay_start_1:
0x0: {  	(tag) =	ssettag $0x1  }
0x1: {  	s12 =	rddreg [dreg:$0x0]  }
0x2: {  	s13 =	rddreg [dreg:$0x1]  }
0x3: {  	s0 =	rddreg [dreg:$0x2]  }
0x4: {  	s3 =	rddreg [dreg:$0x3]  }
0x5: {  	s4 =	rddreg [dreg:$0x4]  }
0x6: {  	s5 =	rddreg [dreg:$0x5]  }
0x7: {  	s1 =	rddreg [dreg:$0x7];
	v0 =	vimm.s32 $0xEFCDAB89  }
0x8: {  	s2 =	srdreg.scid;
	s8 =	simm.s32 $0x0;
	s9 =	stileid.u32;
	v1 =	vimm.s32 $0x67452301;
	v2 =	vimm.s32 $0xDCFE98BA;
	v3 =	vimm.s32 $0x54761032  }
0x9: {  	s14 =	simm.s32 $0x200;
	v4 =	vimm.s32 $0xBA98FEDC;
	s15 =	simm.s32 $0x300;
	s16 =	simm.s32 $0x280  }
0xa: {  	v5 =	vimm.s32 $0x32107654;
	s17 =	simm.s32 $0x380;
	v6 =	vimm.s32 $0xFEDCBA98;
	s19 =	simm.s32 $0x2;
	s20 =	simm.s32 $0x80  }
0xb: {  	v7 =	vimm.s32 $0x76543210;
	s23 =	simm.s32 $0x100;
	s24 =	simm.s32 $0x500;
	s25 =	simm.s32 $0x180;
	v0 =	vunpack.c.l.s4.s8 v0;
	v1 =	vunpack.c.l.s4.s8 v1  }
0xc: {  	s26 =	simm.s32 $0x580;
	s28 =	simm.s32 $0x600;
	s29 =	simm.s32 $0x48;
	v2 =	vunpack.c.l.s4.s8 v2;
	v3 =	vunpack.c.l.s4.s8 v3;
	v4 =	vunpack.c.l.s4.s8 v4  }
0xd: {  	s30 =	simm.s32 $0x680;
	s31 =	simm.s32 $0x700;
	s2 =	sand.u32 $0x1, s2;
	v5 =	vunpack.c.l.s4.s8 v5;
	v6 =	vunpack.c.l.s4.s8 v6;
	v7 =	vunpack.c.l.s4.s8 v7  }
0xe: {  	[smem:$0x7FF] =	sst s8;
	s9 =	sshll.u32 s9, $0x7;
	s12 =	sadd.s32 $0x10, s12;
	v0 =	vunpack.c.0.s8.s32 v0;
	v1 =	vunpack.c.0.s8.s32 v1;
	v2 =	vunpack.c.0.s8.s32 v2  }
0xf: {  	s13 =	sadd.s32 $0x10, s13;
	s6 =	ssub.s32 $0x2, s2;
	s2 =	sshll.u32 s2, $0x6;
	v3 =	vunpack.c.0.s8.s32 v3;
	v4 =	vunpack.c.0.s8.s32 v4;
	v5 =	vunpack.c.0.s8.s32 v5  }
0x10: {  	_ =	strace $0x80000047;
	s7 =	sshrl.u32 s6, $0x1;
	s2 =	sor.u32 s2, s9;
	v6 =	vunpack.c.0.s8.s32 v6;
	v1 =	vcombine.low v1, v0  }
0x11: {  	s6 =	ssub.s32 s6, s7;
	s9 =	sadd.s32 s0, s2;
	s10 =	sadd.s32 s1, s2;
	v2 =	vcombine.low v3, v2;
	v3 =	vcombine.low v5, v4;
	v4 =	vunpack.c.0.s8.s32 v7  }
0x12: {  	s2 =	simm.s32 $0x780;
	s7 =	simm.s32 $0x1;
	s0 =	simm.s32 $0x3;
	v0 =	vimm.f32 $0.0e+00;
	v5 =	vand.u32 $0xF, v6;
	v1 =	vand.u32 $0xF, v1  }
0x13: {  	s1 =	simm.s32 $0x0;
	s11 =	smax.u32 s6, $0x1;
	s6 =	simm.s32 $0x880;
	v2 =	vand.u32 $0xF, v2;
	v3 =	vand.u32 $0xF, v3;
	v4 =	vcombine.low v5, v4  }
.LBB2_1:
0x14: {  	[tilespmem:s8], [sflag:$0x2] =	stream.linear.gather [hbm4b:s9+s8], $0x200, $0x38;
	[tilespmem:$0xA80] =	vst v63  }
0x15: {  	s18 =	rddreg [dreg:$0x0]  }
0x16: {  	[tilespmem:s14], [sflag:$0x2] =	stream.linear.gather [hbm4b:s18+s8], $0x80, $0x38;
	[tilespmem:$0xA80] =	vst v63  }
0x17: {  	_ = 	snop  }
0x18: {  	[tilespmem:s15], [sflag:$0x2] =	stream.linear.gather [hbm4b:s12+s8], $0x80, $0x38;
	[tilespmem:$0xA80] =	vst v63  }
0x19: {  	s21 =	rddreg [dreg:$0x1]  }
0x1a: {  	[tilespmem:s16], [sflag:$0x2] =	stream.linear.gather [hbm4b:s21+s8], $0x80, $0x38;
	[tilespmem:$0xA80] =	vst v63  }
0x1b: {  	_ = 	snop  }
0x1c: {  	[tilespmem:s17], [sflag:$0x2] =	stream.linear.gather [hbm4b:s13+s8], $0x80, $0x38;
	[tilespmem:$0xA80] =	vst v63  }
0x1d: {  	s22 =	rddreg [dreg:$0x6];
	s21 =	simm.s32 $0x800  }
0x1e: {  	[tilespmem:s21], [sflag:$0x2] =	stream.linear.gather [hbm4b:s22+s8], $0x80, $0x38;
	[tilespmem:$0xA80] =	vst v63  }
0x1f: {  	[tilespmem:$0x6C0] =	vst v0  }
0x20: {  	[tilespmem:$0x7C0] =	vst v0  }
0x21: {  	_ =	swait.ge [sflag:s19], $0x200  }
0x22: {  	[sflag:s19] =	ssyncset.done $0x0  }
0x23: {  	[sflag:s19] =	ssyncadd.s32 $0xFFFFFE00  }
0x24: {  	_ =	swait.ge [sflag:s19], $0x100  }
0x25: {  	[sflag:s19] =	ssyncset.done $0x0  }
0x26: {  	[sflag:s19] =	ssyncadd.s32 $0xFFFFFF00  }
0x27: {  	_ =	swait.ge [sflag:s19], $0x100  }
0x28: {  	[sflag:s19] =	ssyncset.done $0x0  }
0x29: {  	[sflag:s19] =	ssyncadd.s32 $0xFFFFFF00  }
0x2a: {  	_ =	swait.ge [sflag:s19], $0x80  }
0x2b: {  	[sflag:s19] =	ssyncset.done $0x0  }
0x2c: {  	s21 =	simm.s32 $0x400;
	[sflag:s19] =	ssyncadd.s32 $0xFFFFFF80  }
0x2d: {  	[tilespmem:s21], [sflag:$0x1] =	stream.indirect.gather [hbm4b:s3+s20], $0x1, s8, s20, $0xb8;
	[tilespmem:$0xA80] =	vst v63  }
0x2e: {  	s22 =	simm.s32 $0x480  }
0x2f: {  	[tilespmem:s22], [sflag:$0x1] =	stream.indirect.gather [hbm4b:s3+s20], $0x1, s20, s20, $0xb8;
	[tilespmem:$0xA80] =	vst v63  }
0x30: {  	_ = 	snop  }
0x31: {  	[tilespmem:s24], [sflag:$0x1] =	stream.indirect.gather [hbm4b:s3+s20], $0x1, s23, s20, $0xb8;
	[tilespmem:$0xA80] =	vst v63  }
0x32: {  	_ = 	snop  }
0x33: {  	[tilespmem:s26], [sflag:$0x1] =	stream.indirect.gather [hbm4b:s3+s20], $0x1, s25, s20, $0xb8;
	[tilespmem:$0xA80] =	vst v63  }
0x34: {  	_ = 	snop  }
0x35: {  	[tilespmem:s28], [sflag:$0x2] =	stream.indirect.gather [hbm4b:s4+s20], $0x1, s14, s20, $0xb8;
	[tilespmem:$0xA80] =	vst v63  }
0x36: {  	_ = 	snop  }
0x37: {  	[tilespmem:s30], [sflag:$0x2] =	stream.indirect.gather [hbm4b:s4+s29], $0x1, s15, s29, $0xb8;
	[tilespmem:$0xA80] =	vst v63  }
0x38: {  	_ = 	snop  }
0x39: {  	[tilespmem:s31], [sflag:$0x2] =	stream.indirect.gather [hbm4b:s5+s20], $0x1, s16, s20, $0xb8;
	[tilespmem:$0xA80] =	vst v63  }
0x3a: {  	_ = 	snop  }
0x3b: {  	[tilespmem:s2], [sflag:$0x2] =	stream.indirect.gather [hbm4b:s5+s29], $0x1, s17, s29, $0xb8;
	[tilespmem:$0xA80] =	vst v63  }
0x3c: {  	_ =	swait.ge [sflag:s19], $0x80  }
0x3d: {  	[sflag:s19] =	ssyncset.done $0x0  }
0x3e: {  	[sflag:s19] =	ssyncadd.s32 $0xFFFFFF80  }
0x3f: {  	_ =	swait.ge [sflag:s19], $0x48  }
0x40: {  	[sflag:s19] =	ssyncset.done $0x0  }
0x41: {  	[sflag:s19] =	ssyncadd.s32 $0xFFFFFFB8  }
0x42: {  	_ =	swait.ge [sflag:s19], $0x80  }
0x43: {  	[sflag:s19] =	ssyncset.done $0x0  }
0x44: {  	[sflag:s19] =	ssyncadd.s32 $0xFFFFFF80  }
0x45: {  	_ =	swait.ge [sflag:s19], $0x48  }
0x46: {  	[sflag:s19] =	ssyncset.done $0x0  }
0x47: {  	[sflag:s19] =	ssyncadd.s32 $0xFFFFFFB8  }
0x48: {  	v5 =	vld [tilespmem:$0x600]  }
0x49: {  	v6 =	vld [tilespmem:$0x700]  }
0x4a: {  	v7 =	vld [tilespmem:$0x610]  }
0x4b: {  	v8 =	vld [tilespmem:$0x710]  }
0x4c: {  	v9 =	vld [tilespmem:$0x620]  }
0x4d: {  	v10 =	vld [tilespmem:$0x720];
	v5 =	vadd.f32 $0.0e+00, v5  }
0x4e: {  	v11 =	vld [tilespmem:$0x630];
	v6 =	vadd.f32 $0.0e+00, v6  }
0x4f: {  	v5 =	vadd.f32 v7, v5;
	v7 =	vld [tilespmem:$0x730]  }
0x50: {  	v6 =	vadd.f32 v8, v6;
	v8 =	vld [tilespmem:$0x640]  }
0x51: {  	v51 =	vld [tilespmem:$0x740];
	v5 =	vadd.f32 v9, v5  }
0x52: {  	v52 =	vld [tilespmem:$0x650];
	v6 =	vadd.f32 v10, v6  }
0x53: {  	v53 =	vld [tilespmem:$0x750];
	v5 =	vadd.f32 v11, v5  }
0x54: {  	v6 =	vadd.f32 v7, v6;
	v7 =	vld [tilespmem:$0x660]  }
0x55: {  	v5 =	vadd.f32 v8, v5;
	v8 =	vld [tilespmem:$0x760]  }
0x56: {  	v54 =	vld [tilespmem:$0x670];
	v6 =	vadd.f32 v51, v6  }
0x57: {  	v55 =	vld [tilespmem:$0x770];
	v5 =	vadd.f32 v52, v5  }
0x58: {  	v56 =	vld [tilespmem:$0x680];
	v6 =	vadd.f32 v53, v6  }
0x59: {  	v5 =	vadd.f32 v7, v5;
	v7 =	vld [tilespmem:$0x780]  }
0x5a: {  	v6 =	vadd.f32 v8, v6;
	v8 =	vld [tilespmem:$0x690]  }
0x5b: {  	v57 =	vld [tilespmem:$0x790];
	v5 =	vadd.f32 v54, v5  }
0x5c: {  	v58 =	vld [tilespmem:$0x6A0];
	v6 =	vadd.f32 v55, v6  }
0x5d: {  	v59 =	vld [tilespmem:$0x7A0];
	v5 =	vadd.f32 v56, v5  }
0x5e: {  	v6 =	vadd.f32 v7, v6;
	v7 =	vld [tilespmem:$0x6B0]  }
0x5f: {  	v5 =	vadd.f32 v8, v5;
	v8 =	vld [tilespmem:$0x7B0]  }
0x60: {  	v60 =	vld [tilespmem:$0x6C0];
	v6 =	vadd.f32 v57, v6  }
0x61: {  	v61 =	vld [tilespmem:$0x7C0];
	v5 =	vadd.f32 v58, v5  }
0x62: {  	v6 =	vadd.f32 v59, v6  }
0x63: {  	v5 =	vadd.f32 v7, v5  }
0x64: {  	v6 =	vadd.f32 v8, v6  }
0x65: {  	v5 =	vadd.f32 v60, v5  }
0x66: {  	v6 =	vadd.f32 v61, v6  }
0x67: {  	v8 =	vld [tilespmem:$0x800];
	v7 =	vperm.xlane v5, v1  }
0x68: {  	v62 =	vperm.xlane v6, v1  }
0x69: {  	v5 =	vadd.f32 v7, v5  }
0x6a: {  	v6 =	vadd.f32 v62, v6  }
0x6b: {  	v7 =	vperm.xlane v5, v2  }
0x6c: {  	v63 =	vperm.xlane v8, v1;
	v9 =	vperm.xlane v6, v2  }
0x6d: {  	v5 =	vadd.f32 v7, v5  }
0x6e: {  	v7 =	vadd.f32 v63, v8;
	v6 =	vadd.f32 v9, v6  }
0x6f: {  	v8 =	vperm.xlane v5, v3  }
0x70: {  	_ =	swait.ge [sflag:s7], $0x80;
	v10 =	vperm.xlane v7, v2;
	v9 =	vperm.xlane v6, v3  }
0x71: {  	[sflag:s7] =	ssyncset.done $0x0;
	v5 =	vadd.f32 v8, v5  }
0x72: {  	[sflag:s7] =	ssyncadd.s32 $0xFFFFFF80;
	v7 =	vadd.f32 v10, v7;
	v6 =	vadd.f32 v9, v6  }
0x73: {  	_ =	swait.ge [sflag:s7], $0x80;
	v8 =	vperm.xlane v5, v4  }
0x74: {  	[sflag:s7] =	ssyncset.done $0x0;
	v10 =	vperm.xlane v7, v3;
	v9 =	vperm.xlane v6, v4  }
0x75: {  	[sflag:s7] =	ssyncadd.s32 $0xFFFFFF80;
	v5 =	vadd.f32 v8, v5  }
0x76: {  	_ =	swait.ge [sflag:s7], $0x80;
	v7 =	vadd.f32 v10, v7;
	v6 =	vadd.f32 v9, v6  }
0x77: {  	[sflag:s7] =	ssyncset.done $0x0  }
0x78: {  	[sflag:s7] =	ssyncadd.s32 $0xFFFFFF80;
	v5 =	vadd.f32 v6, v5;
	v6 =	vperm.xlane v7, v4  }
0x79: {  	_ =	swait.ge [sflag:s7], $0x80  }
0x7a: {  	[sflag:s7] =	ssyncset.done $0x0;
	v5 =	vmul.f32 $4.999999890e-03, v5;
	v6 =	vadd.f32 v6, v7  }
0x7b: {  	s18 =	simm.s32 $0x0;
	[sflag:s7] =	ssyncadd.s32 $0xFFFFFF80  }
0x7c: {  	v5 =	vadd.f32 v6, v5;
	v6 =	vld [tilespmem:s18+$0x400]  }
0x7d: {  	s21 =	simm.s32 $0x40  }
.LBB2_2:
0x7e: {  	p0 =	sne.s32 s21, $0x7C0  }
.Ltmp0:
0x7f: {  	_ = 	snop;
	(pc) =	sbr.rel @p0 .LBB2_2-.Ltmp0, $4  }
0x80: {  	_ = 	snop  }
0x81: {  	s22 =	sshra.s32 s21, $0x2;
	s21 =	sadd.s32 $0x40, s21;
	v7 =	vadd.f32 v6, v5  }
0x82: {  	v6 =	vld [tilespmem:s22+$0x400]  }
0x83: {  	[tilespmem:s18+$0x880] =	vst v7;
	s18 =	smov.u32 s22  }
0x84: {  	_ =	sdelay $0x2  }
0x85: {  	s1 =	sadd.s32 $0x1, s1;
	v5 =	vadd.f32 v6, v5  }
0x86: {  	p0 =	sne.s32 s1, s11  }
.Ltmp1:
0x87: {  	[tilespmem:s18+$0x880] =	vst v5;
	(pc) =	sbr.rel @p0 .LBB2_1-.Ltmp1, $4  }
0x88: {  	[hbm4b:s10+s8] =	stream.linear.scatter [tilespmem:s6], [sflag:$0x3], $0x200, $0x38;
	[tilespmem:$0xA80] =	vst v63  }
0x89: {  	_ =	swait.ge [sflag:s0], $0x200  }
0x8a: {  	[sflag:s0] =	ssyncset.done $0x0  }
0x8b: {  	[sflag:s0] =	ssyncadd.s32 $0xFFFFFE00  }
0x8c: {  	_ =	sfence.sel $0x180000  }
0x8d: {  	[bflag:$0x0] =	sbarrier.arrive $0xFFFF  }
0x8e: {  	_ =	strace $0x90000047  }
0x8f: {  	s0 =	stileid.u32;
	[bflag:$0x2] =	sbarrier.arrive $0xFFFF  }
0x90: {  	p0 =	sne.s32 s0, $0x0;
	s0 =	rddreg [dreg:$0x8]  }
0x91: {  	s0 =	sadd.s32 @!p0 $0x100000, s0  }
0x92: {  	[sflag:s0] =	ssyncadd.tile.s32 @!p0 $0x1;
	_ =	shalt  }
.Lfunc_end2:
_tile_overlayer_lowered:
.L_overlay_start_2:
0x93: {  	(tag) =	ssettag $0x2  }
0x94: {  	s0 =	rddreg [dreg:$0x0];
	s2 =	stileid.u32  }
0x95: {  	s1 =	rddreg [dreg:$0x1];
	p0 =	sne.s32 s2, $0x0  }
0x96: {  	s3 =	rddreg [dreg:$0x2];
	[bflag:$0x3] =	sbarrier.arrive $0xFFFF;
	s2 =	simm.s32 @!p0 $0x1C03  }
0x97: {  	[timem:s3], [sflag:s2] =	dma.local @!p0 [hbm:s0], s1  }
0x98: {  	s0 =	simm.s32 @!p0 $0x3  }
0x99: {  	_ =	swait.ge @!p0 [sflag:s0], s1  }
0x9a: {  	s1 =	ssub.s32 @!p0 $0x0, s1;
	[sflag:s0] =	ssyncset.done @!p0 $0x0  }
0x9b: {  	[sflag:s0] =	ssyncadd.s32 @!p0 s1  }
0x9c: {  	[bflag:$0x3] =	sbarrier.arrive $0xFFFF  }
0x9d: {  	_ =	shalt  }

</sc_bundles>
